<compile_context>
chip_gen: v7x
topology: tpu7x:2x2x1
jax: 0.10.2.dev20260603
libtpu: 0.0.44.dev20260713+nightly
codegen_flags: <defaults>
</compile_context>

<pallas_src>
import functools

import jax
import jax.numpy as jnp
from jax import lax
from jax.experimental import pallas as pl
from jax.experimental.pallas import tpu as pltpu
from jax.experimental.pallas import tpu_sc as plsc


def kernel(x, embedding_table):
    seq_len = x.shape[1]
    table_rows, d_model = embedding_table.shape

    info = plsc.get_sparse_core_info()
    nc, ns = info.num_cores, info.num_subcores
    nw = nc * ns
    rows_per_w = seq_len // nw
    row_elems = seq_len * d_model

    mesh = plsc.VectorSubcoreMesh(core_axis_name="c", subcore_axis_name="s")

    nbuf = 2
    pieces = 8
    chunk = row_elems // pieces
    nchunks = rows_per_w * pieces

    @functools.partial(
        pl.kernel,
        mesh=mesh,
        out_type=jax.ShapeDtypeStruct((seq_len * seq_len * d_model,), jnp.float32),
        scratch_types=[
            pltpu.VMEM((nbuf, chunk), jnp.float32),
            pltpu.SemaphoreType.DMA((nbuf,)),
            pltpu.SemaphoreType.DMA((nbuf,)),
        ],
    )
    def copy_kernel(table_hbm, out_hbm, buf, sem_in, sem_out):
        cid = lax.axis_index("c")
        sid = lax.axis_index("s")
        wid = sid * nc + cid
        row0 = wid * rows_per_w

        def src_of(k):
            r = lax.div(k, pieces)
            p = lax.rem(k, pieces)
            return pl.multiple_of(
                (seq_len - row0 - r) * d_model + p * chunk, 128
            )

        def dst_of(k):
            r = lax.div(k, pieces)
            p = lax.rem(k, pieces)
            return pl.multiple_of((row0 + r) * row_elems + p * chunk, 128)

        def start_in(k, b):
            pltpu.make_async_copy(
                table_hbm.at[pl.ds(src_of(k), chunk)], buf.at[b], sem_in.at[b]
            ).start()

        def wait_in(k, b):
            pltpu.make_async_copy(
                table_hbm.at[pl.ds(src_of(k), chunk)], buf.at[b], sem_in.at[b]
            ).wait()

        def start_out(k, b):
            pltpu.make_async_copy(
                buf.at[b], out_hbm.at[pl.ds(dst_of(k), chunk)], sem_out.at[b]
            ).start()

        def wait_out(k, b):
            pltpu.make_async_copy(
                buf.at[b], out_hbm.at[pl.ds(dst_of(k), chunk)], sem_out.at[b]
            ).wait()

        lag = 1

        def step(k4, carry):
            for b in range(nbuf):
                k = k4 * nbuf + b

                @pl.when(k < nchunks)
                def _in_phase():
                    @pl.when(k >= nbuf)
                    def _drain_prev():
                        wait_out(k - nbuf, b)

                    start_in(k, b)

                j = k - lag
                bj = (b - lag) % nbuf

                @pl.when(jnp.logical_and(j >= 0, j < nchunks))
                def _out_phase():
                    wait_in(j, bj)
                    start_out(j, bj)

            return carry

        niter = (nchunks + lag + nbuf - 1) // nbuf + 1
        lax.fori_loop(0, niter, step, 0, unroll=False)
        for t in range(nbuf):
            j = nchunks - nbuf + t
            wait_out(j, j % nbuf)

    flat = copy_kernel(embedding_table.reshape(-1))
    return flat.reshape(seq_len, seq_len, d_model)

# --- scband reference (transcript-rebuilt; emitter-appended) ---
"""Pipeline reference for scband-xlrelative-positional-encoding-18356690223420 (READ-ONLY COPY).

The authoritative reference and input builder live on the scoring server;
editing this copy changes nothing except your own understanding.
"""

import jax, jax.numpy as jnp
import numpy as np

D_MODEL = 768
MAX_SEQ_LEN = 1024
BATCH = 2
SEQ_LEN = 512


def setup_inputs(seed: int = 0) -> dict:
    key = jax.random.key(seed)
    k1, k2 = jax.random.split(key)
    x = jax.random.normal(k1, (BATCH, SEQ_LEN, D_MODEL), dtype=jnp.float32)
    # Learned embedding table: (2 * max_seq_len - 1, d_model)
    embedding_table = jax.random.normal(k2, (2 * MAX_SEQ_LEN - 1, D_MODEL), dtype=jnp.float32) * 0.02
    return {"x": x, "embedding_table": embedding_table}


def reference(x, embedding_table):
    # compute_relative_positional_encoding(seq_len)
    seq_len = x.shape[1]
    pe = jnp.arange(seq_len)
    rpe = pe - pe[:, jnp.newaxis]
    rpe = rpe + seq_len
    # Embedding lookup: (seq_len, seq_len) int indices -> (seq_len, seq_len, d_model)
    return jnp.take(embedding_table, rpe, axis=0)

if __name__ == "__main__":
    import jax
    _d = setup_inputs()
    print(jax.jit(kernel)(*tuple(_d.values())))

</pallas_src>

<mosaic_0001>
#map = affine_map<(d0, d1) -> (0)>
module attributes {stable_mosaic.version = 14 : i64} {
  func.func @copy_kernel(%arg0: i32, %arg1: i32, %arg2: memref<1572096xf32, #tpu.memory_space<hbm>>, %arg3: memref<201326592xf32, #tpu.memory_space<hbm>>, %arg4: memref<2x49152xf32, #tpu.memory_space<vmem>>, %arg5: memref<2x!tpu.dma_semaphore, #tpu.memory_space<semaphore_mem>>, %arg6: memref<2x!tpu.dma_semaphore, #tpu.memory_space<semaphore_mem>>) attributes {dimension_semantics = [#tpu.dimension_semantics<core_parallel>, #tpu.dimension_semantics<subcore_parallel>], iteration_bounds = array<i64: 2, 16>, scalar_prefetch = 0 : i64, scratch_operands = 3 : i64, tpu.core_type = #tpu.core_type<sc_vector_subcore>, window_params = [{transform_indices = #map}, {transform_indices = #map}]} {
    %mul3A = arith.constant 2 : i32
    %mul3A_0 = arith.muli %arg1, %mul3A : i32
    %add3A = arith.addi %mul3A_0, %arg0 : i32
    %mul3A_1 = arith.constant 16 : i32
    %mul3A_2 = arith.muli %add3A, %mul3A_1 : i32
    %scan3A = arith.constant 0 : i32
    %scan3A_3 = arith.constant 0 : i32
    %scan3A_4 = arith.constant 66 : i32
    %scan3A_5 = arith.addi %scan3A_3, %scan3A_4 : i32
    %scan3A_6 = arith.constant 1 : i32
    scf.for %scan3A_54 = %scan3A_3 to %scan3A_5 step %scan3A_6  : i32 {
      %mul3A_55 = arith.constant 2 : i32
      %mul3A_56 = arith.muli %scan3A_54, %mul3A_55 : i32
      %add3A_57 = arith.constant 0 : i32
      %add3A_58 = arith.addi %mul3A_56, %add3A_57 : i32
      %lt3A = arith.constant 128 : i32
      %lt3A_59 = arith.cmpi slt, %add3A_58, %lt3A : i32
      %convert_element_type3A = arith.extui %lt3A_59 : i1 to i32
      %cond3A = arith.constant 0 : i32
      %cond3A_60 = arith.cmpi ne, %convert_element_type3A, %cond3A : i32
      scf.if %cond3A_60 {
        %ge3A_87 = arith.constant 2 : i32
        %ge3A_88 = arith.cmpi sge, %add3A_58, %ge3A_87 : i32
        %convert_element_type3A_89 = arith.extui %ge3A_88 : i1 to i32
        %cond3A_90 = arith.constant 0 : i32
        %cond3A_91 = arith.cmpi ne, %convert_element_type3A_89, %cond3A_90 : i32
        scf.if %cond3A_91 {
          %sub3A_116 = arith.constant 2 : i32
          %sub3A_117 = arith.subi %add3A_58, %sub3A_116 : i32
          %div3A_118 = arith.constant 8 : i32
          %div3A_119 = arith.divsi %sub3A_117, %div3A_118 : i32
          %rem3A_120 = arith.constant 8 : i32
          %rem3A_121 = arith.remsi %sub3A_117, %rem3A_120 : i32
          %add3A_122 = arith.addi %mul3A_2, %div3A_119 : i32
          %mul3A_123 = arith.constant 393216 : i32
          %mul3A_124 = arith.muli %add3A_122, %mul3A_123 : i32
          %mul3A_125 = arith.constant 49152 : i32
          %mul3A_126 = arith.muli %rem3A_121, %mul3A_125 : i32
          %add3A_127 = arith.addi %mul3A_124, %mul3A_126 : i32
          %multiple_of3A_128 = tpu.assume_multiple %add3A_127, 128 : i32
          %dma_wait3A_129 = arith.constant 0 : i32
          %dma_wait3A_130 = arith.constant 0 : i32
          %dma_wait3A_131 = arith.constant 0 : i32
          %dma_wait3A_132 = tpu.memref_slice %arg4[%dma_wait3A_129, %dma_wait3A_131] : memref<2x49152xf32, #tpu.memory_space<vmem>> -> memref<1x49152xf32, #tpu.memory_space<vmem>>
          %dma_wait3A_133 = tpu.memref_squeeze %dma_wait3A_132 : memref<1x49152xf32, #tpu.memory_space<vmem>> -> memref<49152xf32, #tpu.memory_space<vmem>>
          %dma_wait3A_134 = tpu.memref_slice %arg3[%multiple_of3A_128] : memref<201326592xf32, #tpu.memory_space<hbm>> -> memref<49152xf32, #tpu.memory_space<hbm>>
          %dma_wait3A_135 = tpu.memref_slice %arg6[%dma_wait3A_130] : memref<2x!tpu.dma_semaphore, #tpu.memory_space<semaphore_mem>> -> memref<1x!tpu.dma_semaphore, #tpu.memory_space<semaphore_mem>>
          %dma_wait3A_136 = tpu.memref_squeeze %dma_wait3A_135 : memref<1x!tpu.dma_semaphore, #tpu.memory_space<semaphore_mem>> -> memref<!tpu.dma_semaphore, #tpu.memory_space<semaphore_mem>>
          %dma_wait3A_137 = tpu.memref_slice %arg3[%multiple_of3A_128] : memref<201326592xf32, #tpu.memory_space<hbm>> -> memref<49152xf32, #tpu.memory_space<hbm>>
          %dma_wait3A_138 = arith.constant 0 : i32
          %dma_wait3A_139 = tpu.memref_slice %arg4[%dma_wait3A_129, %dma_wait3A_138] : memref<2x49152xf32, #tpu.memory_space<vmem>> -> memref<1x49152xf32, #tpu.memory_space<vmem>>
          %dma_wait3A_140 = tpu.memref_squeeze %dma_wait3A_139 : memref<1x49152xf32, #tpu.memory_space<vmem>> -> memref<49152xf32, #tpu.memory_space<vmem>>
          tpu.wait_dma2 semaphore(%dma_wait3A_136 : memref<!tpu.dma_semaphore, #tpu.memory_space<semaphore_mem>>) src(%dma_wait3A_140 : memref<49152xf32, #tpu.memory_space<vmem>>) dst(%dma_wait3A_137 : memref<49152xf32, #tpu.memory_space<hbm>>)
        } else {
        }
        %div3A_92 = arith.constant 8 : i32
        %div3A_93 = arith.divsi %add3A_58, %div3A_92 : i32
        %rem3A_94 = arith.constant 8 : i32
        %rem3A_95 = arith.remsi %add3A_58, %rem3A_94 : i32
        %sub3A_96 = arith.constant 512 : i32
        %sub3A_97 = arith.subi %sub3A_96, %mul3A_2 : i32
        %sub3A_98 = arith.subi %sub3A_97, %div3A_93 : i32
        %mul3A_99 = arith.constant 768 : i32
        %mul3A_100 = arith.muli %sub3A_98, %mul3A_99 : i32
        %mul3A_101 = arith.constant 49152 : i32
        %mul3A_102 = arith.muli %rem3A_95, %mul3A_101 : i32
        %add3A_103 = arith.addi %mul3A_100, %mul3A_102 : i32
        %multiple_of3A_104 = tpu.assume_multiple %add3A_103, 128 : i32
        %dma_start3A = arith.constant 0 : i32
        %dma_start3A_105 = arith.constant 0 : i32
        %dma_start3A_106 = arith.constant 0 : i32
        %dma_start3A_107 = tpu.memref_slice %arg4[%dma_start3A, %dma_start3A_106] : memref<2x49152xf32, #tpu.memory_space<vmem>> -> memref<1x49152xf32, #tpu.memory_space<vmem>>
        %dma_start3A_108 = tpu.memref_squeeze %dma_start3A_107 : memref<1x49152xf32, #tpu.memory_space<vmem>> -> memref<49152xf32, #tpu.memory_space<vmem>>
        %dma_start3A_109 = tpu.memref_slice %arg2[%multiple_of3A_104] : memref<1572096xf32, #tpu.memory_space<hbm>> -> memref<49152xf32, #tpu.memory_space<hbm>>
        %dma_start3A_110 = tpu.memref_slice %arg5[%dma_start3A_105] : memref<2x!tpu.dma_semaphore, #tpu.memory_space<semaphore_mem>> -> memref<1x!tpu.dma_semaphore, #tpu.memory_space<semaphore_mem>>
        %dma_start3A_111 = tpu.memref_squeeze %dma_start3A_110 : memref<1x!tpu.dma_semaphore, #tpu.memory_space<semaphore_mem>> -> memref<!tpu.dma_semaphore, #tpu.memory_space<semaphore_mem>>
        %dma_start3A_112 = arith.constant 0 : i32
        %dma_start3A_113 = tpu.memref_slice %arg4[%dma_start3A, %dma_start3A_112] : memref<2x49152xf32, #tpu.memory_space<vmem>> -> memref<1x49152xf32, #tpu.memory_space<vmem>>
        %dma_start3A_114 = tpu.memref_squeeze %dma_start3A_113 : memref<1x49152xf32, #tpu.memory_space<vmem>> -> memref<49152xf32, #tpu.memory_space<vmem>>
        %dma_start3A_115 = tpu.memref_slice %arg2[%multiple_of3A_104] : memref<1572096xf32, #tpu.memory_space<hbm>> -> memref<49152xf32, #tpu.memory_space<hbm>>
        tpu.enqueue_dma source(%dma_start3A_115 : memref<49152xf32, #tpu.memory_space<hbm>>) target(%dma_start3A_114 : memref<49152xf32, #tpu.memory_space<vmem>>) target_semaphore(%dma_start3A_111 : memref<!tpu.dma_semaphore, #tpu.memory_space<semaphore_mem>>)
      } else {
      }
      %sub3A = arith.constant 1 : i32
      %sub3A_61 = arith.subi %add3A_58, %sub3A : i32
      %ge3A = arith.constant 0 : i32
      %ge3A_62 = arith.cmpi sge, %sub3A_61, %ge3A : i32
      %lt3A_63 = arith.constant 128 : i32
      %lt3A_64 = arith.cmpi slt, %sub3A_61, %lt3A_63 : i32
      %and3A = arith.andi %ge3A_62, %lt3A_64 : i1
      %convert_element_type3A_65 = arith.extui %and3A : i1 to i32
      %cond3A_66 = arith.constant 0 : i32
      %cond3A_67 = arith.cmpi ne, %convert_element_type3A_65, %cond3A_66 : i32
      scf.if %cond3A_67 {
        %div3A_87 = arith.constant 8 : i32
        %div3A_88 = arith.divsi %sub3A_61, %div3A_87 : i32
        %rem3A_89 = arith.constant 8 : i32
        %rem3A_90 = arith.remsi %sub3A_61, %rem3A_89 : i32
        %sub3A_91 = arith.constant 512 : i32
        %sub3A_92 = arith.subi %sub3A_91, %mul3A_2 : i32
        %sub3A_93 = arith.subi %sub3A_92, %div3A_88 : i32
        %mul3A_94 = arith.constant 768 : i32
        %mul3A_95 = arith.muli %sub3A_93, %mul3A_94 : i32
        %mul3A_96 = arith.constant 49152 : i32
        %mul3A_97 = arith.muli %rem3A_90, %mul3A_96 : i32
        %add3A_98 = arith.addi %mul3A_95, %mul3A_97 : i32
        %multiple_of3A_99 = tpu.assume_multiple %add3A_98, 128 : i32
        %dma_wait3A_100 = arith.constant 1 : i32
        %dma_wait3A_101 = arith.constant 1 : i32
        %dma_wait3A_102 = arith.constant 0 : i32
        %dma_wait3A_103 = tpu.memref_slice %arg4[%dma_wait3A_100, %dma_wait3A_102] : memref<2x49152xf32, #tpu.memory_space<vmem>> -> memref<1x49152xf32, #tpu.memory_space<vmem>>
        %dma_wait3A_104 = tpu.memref_squeeze %dma_wait3A_103 : memref<1x49152xf32, #tpu.memory_space<vmem>> -> memref<49152xf32, #tpu.memory_space<vmem>>
        %dma_wait3A_105 = tpu.memref_slice %arg2[%multiple_of3A_99] : memref<1572096xf32, #tpu.memory_space<hbm>> -> memref<49152xf32, #tpu.memory_space<hbm>>
        %dma_wait3A_106 = tpu.memref_slice %arg5[%dma_wait3A_101] : memref<2x!tpu.dma_semaphore, #tpu.memory_space<semaphore_mem>> -> memref<1x!tpu.dma_semaphore, #tpu.memory_space<semaphore_mem>>
        %dma_wait3A_107 = tpu.memref_squeeze %dma_wait3A_106 : memref<1x!tpu.dma_semaphore, #tpu.memory_space<semaphore_mem>> -> memref<!tpu.dma_semaphore, #tpu.memory_space<semaphore_mem>>
        %dma_wait3A_108 = arith.constant 0 : i32
        %dma_wait3A_109 = tpu.memref_slice %arg4[%dma_wait3A_100, %dma_wait3A_108] : memref<2x49152xf32, #tpu.memory_space<vmem>> -> memref<1x49152xf32, #tpu.memory_space<vmem>>
        %dma_wait3A_110 = tpu.memref_squeeze %dma_wait3A_109 : memref<1x49152xf32, #tpu.memory_space<vmem>> -> memref<49152xf32, #tpu.memory_space<vmem>>
        %dma_wait3A_111 = tpu.memref_slice %arg2[%multiple_of3A_99] : memref<1572096xf32, #tpu.memory_space<hbm>> -> memref<49152xf32, #tpu.memory_space<hbm>>
        tpu.wait_dma2 semaphore(%dma_wait3A_107 : memref<!tpu.dma_semaphore, #tpu.memory_space<semaphore_mem>>) src(%dma_wait3A_111 : memref<49152xf32, #tpu.memory_space<hbm>>) dst(%dma_wait3A_110 : memref<49152xf32, #tpu.memory_space<vmem>>)
        %div3A_112 = arith.constant 8 : i32
        %div3A_113 = arith.divsi %sub3A_61, %div3A_112 : i32
        %rem3A_114 = arith.constant 8 : i32
        %rem3A_115 = arith.remsi %sub3A_61, %rem3A_114 : i32
        %add3A_116 = arith.addi %mul3A_2, %div3A_113 : i32
        %mul3A_117 = arith.constant 393216 : i32
        %mul3A_118 = arith.muli %add3A_116, %mul3A_117 : i32
        %mul3A_119 = arith.constant 49152 : i32
        %mul3A_120 = arith.muli %rem3A_115, %mul3A_119 : i32
        %add3A_121 = arith.addi %mul3A_118, %mul3A_120 : i32
        %multiple_of3A_122 = tpu.assume_multiple %add3A_121, 128 : i32
        %dma_start3A = arith.constant 1 : i32
        %dma_start3A_123 = arith.constant 1 : i32
        %dma_start3A_124 = arith.constant 0 : i32
        %dma_start3A_125 = tpu.memref_slice %arg4[%dma_start3A, %dma_start3A_124] : memref<2x49152xf32, #tpu.memory_space<vmem>> -> memref<1x49152xf32, #tpu.memory_space<vmem>>
        %dma_start3A_126 = tpu.memref_squeeze %dma_start3A_125 : memref<1x49152xf32, #tpu.memory_space<vmem>> -> memref<49152xf32, #tpu.memory_space<vmem>>
        %dma_start3A_127 = tpu.memref_slice %arg3[%multiple_of3A_122] : memref<201326592xf32, #tpu.memory_space<hbm>> -> memref<49152xf32, #tpu.memory_space<hbm>>
        %dma_start3A_128 = tpu.memref_slice %arg6[%dma_start3A_123] : memref<2x!tpu.dma_semaphore, #tpu.memory_space<semaphore_mem>> -> memref<1x!tpu.dma_semaphore, #tpu.memory_space<semaphore_mem>>
        %dma_start3A_129 = tpu.memref_squeeze %dma_start3A_128 : memref<1x!tpu.dma_semaphore, #tpu.memory_space<semaphore_mem>> -> memref<!tpu.dma_semaphore, #tpu.memory_space<semaphore_mem>>
        %dma_start3A_130 = tpu.memref_slice %arg3[%multiple_of3A_122] : memref<201326592xf32, #tpu.memory_space<hbm>> -> memref<49152xf32, #tpu.memory_space<hbm>>
        %dma_start3A_131 = arith.constant 0 : i32
        %dma_start3A_132 = tpu.memref_slice %arg4[%dma_start3A, %dma_start3A_131] : memref<2x49152xf32, #tpu.memory_space<vmem>> -> memref<1x49152xf32, #tpu.memory_space<vmem>>
        %dma_start3A_133 = tpu.memref_squeeze %dma_start3A_132 : memref<1x49152xf32, #tpu.memory_space<vmem>> -> memref<49152xf32, #tpu.memory_space<vmem>>
        tpu.enqueue_dma source(%dma_start3A_133 : memref<49152xf32, #tpu.memory_space<vmem>>) target(%dma_start3A_130 : memref<49152xf32, #tpu.memory_space<hbm>>) target_semaphore(%dma_start3A_129 : memref<!tpu.dma_semaphore, #tpu.memory_space<semaphore_mem>>)
      } else {
      }
      %mul3A_68 = arith.constant 2 : i32
      %mul3A_69 = arith.muli %scan3A_54, %mul3A_68 : i32
      %add3A_70 = arith.constant 1 : i32
      %add3A_71 = arith.addi %mul3A_69, %add3A_70 : i32
      %lt3A_72 = arith.constant 128 : i32
      %lt3A_73 = arith.cmpi slt, %add3A_71, %lt3A_72 : i32
      %convert_element_type3A_74 = arith.extui %lt3A_73 : i1 to i32
      %cond3A_75 = arith.constant 0 : i32
      %cond3A_76 = arith.cmpi ne, %convert_element_type3A_74, %cond3A_75 : i32
      scf.if %cond3A_76 {
        %ge3A_87 = arith.constant 2 : i32
        %ge3A_88 = arith.cmpi sge, %add3A_71, %ge3A_87 : i32
        %convert_element_type3A_89 = arith.extui %ge3A_88 : i1 to i32
        %cond3A_90 = arith.constant 0 : i32
        %cond3A_91 = arith.cmpi ne, %convert_element_type3A_89, %cond3A_90 : i32
        scf.if %cond3A_91 {
          %sub3A_116 = arith.constant 2 : i32
          %sub3A_117 = arith.subi %add3A_71, %sub3A_116 : i32
          %div3A_118 = arith.constant 8 : i32
          %div3A_119 = arith.divsi %sub3A_117, %div3A_118 : i32
          %rem3A_120 = arith.constant 8 : i32
          %rem3A_121 = arith.remsi %sub3A_117, %rem3A_120 : i32
          %add3A_122 = arith.addi %mul3A_2, %div3A_119 : i32
          %mul3A_123 = arith.constant 393216 : i32
          %mul3A_124 = arith.muli %add3A_122, %mul3A_123 : i32
          %mul3A_125 = arith.constant 49152 : i32
          %mul3A_126 = arith.muli %rem3A_121, %mul3A_125 : i32
          %add3A_127 = arith.addi %mul3A_124, %mul3A_126 : i32
          %multiple_of3A_128 = tpu.assume_multiple %add3A_127, 128 : i32
          %dma_wait3A_129 = arith.constant 1 : i32
          %dma_wait3A_130 = arith.constant 1 : i32
          %dma_wait3A_131 = arith.constant 0 : i32
          %dma_wait3A_132 = tpu.memref_slice %arg4[%dma_wait3A_129, %dma_wait3A_131] : memref<2x49152xf32, #tpu.memory_space<vmem>> -> memref<1x49152xf32, #tpu.memory_space<vmem>>
          %dma_wait3A_133 = tpu.memref_squeeze %dma_wait3A_132 : memref<1x49152xf32, #tpu.memory_space<vmem>> -> memref<49152xf32, #tpu.memory_space<vmem>>
          %dma_wait3A_134 = tpu.memref_slice %arg3[%multiple_of3A_128] : memref<201326592xf32, #tpu.memory_space<hbm>> -> memref<49152xf32, #tpu.memory_space<hbm>>
          %dma_wait3A_135 = tpu.memref_slice %arg6[%dma_wait3A_130] : memref<2x!tpu.dma_semaphore, #tpu.memory_space<semaphore_mem>> -> memref<1x!tpu.dma_semaphore, #tpu.memory_space<semaphore_mem>>
          %dma_wait3A_136 = tpu.memref_squeeze %dma_wait3A_135 : memref<1x!tpu.dma_semaphore, #tpu.memory_space<semaphore_mem>> -> memref<!tpu.dma_semaphore, #tpu.memory_space<semaphore_mem>>
          %dma_wait3A_137 = tpu.memref_slice %arg3[%multiple_of3A_128] : memref<201326592xf32, #tpu.memory_space<hbm>> -> memref<49152xf32, #tpu.memory_space<hbm>>
          %dma_wait3A_138 = arith.constant 0 : i32
          %dma_wait3A_139 = tpu.memref_slice %arg4[%dma_wait3A_129, %dma_wait3A_138] : memref<2x49152xf32, #tpu.memory_space<vmem>> -> memref<1x49152xf32, #tpu.memory_space<vmem>>
          %dma_wait3A_140 = tpu.memref_squeeze %dma_wait3A_139 : memref<1x49152xf32, #tpu.memory_space<vmem>> -> memref<49152xf32, #tpu.memory_space<vmem>>
          tpu.wait_dma2 semaphore(%dma_wait3A_136 : memref<!tpu.dma_semaphore, #tpu.memory_space<semaphore_mem>>) src(%dma_wait3A_140 : memref<49152xf32, #tpu.memory_space<vmem>>) dst(%dma_wait3A_137 : memref<49152xf32, #tpu.memory_space<hbm>>)
        } else {
        }
        %div3A_92 = arith.constant 8 : i32
        %div3A_93 = arith.divsi %add3A_71, %div3A_92 : i32
        %rem3A_94 = arith.constant 8 : i32
        %rem3A_95 = arith.remsi %add3A_71, %rem3A_94 : i32
        %sub3A_96 = arith.constant 512 : i32
        %sub3A_97 = arith.subi %sub3A_96, %mul3A_2 : i32
        %sub3A_98 = arith.subi %sub3A_97, %div3A_93 : i32
        %mul3A_99 = arith.constant 768 : i32
        %mul3A_100 = arith.muli %sub3A_98, %mul3A_99 : i32
        %mul3A_101 = arith.constant 49152 : i32
        %mul3A_102 = arith.muli %rem3A_95, %mul3A_101 : i32
        %add3A_103 = arith.addi %mul3A_100, %mul3A_102 : i32
        %multiple_of3A_104 = tpu.assume_multiple %add3A_103, 128 : i32
        %dma_start3A = arith.constant 1 : i32
        %dma_start3A_105 = arith.constant 1 : i32
        %dma_start3A_106 = arith.constant 0 : i32
        %dma_start3A_107 = tpu.memref_slice %arg4[%dma_start3A, %dma_start3A_106] : memref<2x49152xf32, #tpu.memory_space<vmem>> -> memref<1x49152xf32, #tpu.memory_space<vmem>>
        %dma_start3A_108 = tpu.memref_squeeze %dma_start3A_107 : memref<1x49152xf32, #tpu.memory_space<vmem>> -> memref<49152xf32, #tpu.memory_space<vmem>>
        %dma_start3A_109 = tpu.memref_slice %arg2[%multiple_of3A_104] : memref<1572096xf32, #tpu.memory_space<hbm>> -> memref<49152xf32, #tpu.memory_space<hbm>>
        %dma_start3A_110 = tpu.memref_slice %arg5[%dma_start3A_105] : memref<2x!tpu.dma_semaphore, #tpu.memory_space<semaphore_mem>> -> memref<1x!tpu.dma_semaphore, #tpu.memory_space<semaphore_mem>>
        %dma_start3A_111 = tpu.memref_squeeze %dma_start3A_110 : memref<1x!tpu.dma_semaphore, #tpu.memory_space<semaphore_mem>> -> memref<!tpu.dma_semaphore, #tpu.memory_space<semaphore_mem>>
        %dma_start3A_112 = arith.constant 0 : i32
        %dma_start3A_113 = tpu.memref_slice %arg4[%dma_start3A, %dma_start3A_112] : memref<2x49152xf32, #tpu.memory_space<vmem>> -> memref<1x49152xf32, #tpu.memory_space<vmem>>
        %dma_start3A_114 = tpu.memref_squeeze %dma_start3A_113 : memref<1x49152xf32, #tpu.memory_space<vmem>> -> memref<49152xf32, #tpu.memory_space<vmem>>
        %dma_start3A_115 = tpu.memref_slice %arg2[%multiple_of3A_104] : memref<1572096xf32, #tpu.memory_space<hbm>> -> memref<49152xf32, #tpu.memory_space<hbm>>
        tpu.enqueue_dma source(%dma_start3A_115 : memref<49152xf32, #tpu.memory_space<hbm>>) target(%dma_start3A_114 : memref<49152xf32, #tpu.memory_space<vmem>>) target_semaphore(%dma_start3A_111 : memref<!tpu.dma_semaphore, #tpu.memory_space<semaphore_mem>>)
      } else {
      }
      %sub3A_77 = arith.constant 1 : i32
      %sub3A_78 = arith.subi %add3A_71, %sub3A_77 : i32
      %ge3A_79 = arith.constant 0 : i32
      %ge3A_80 = arith.cmpi sge, %sub3A_78, %ge3A_79 : i32
      %lt3A_81 = arith.constant 128 : i32
      %lt3A_82 = arith.cmpi slt, %sub3A_78, %lt3A_81 : i32
      %and3A_83 = arith.andi %ge3A_80, %lt3A_82 : i1
      %convert_element_type3A_84 = arith.extui %and3A_83 : i1 to i32
      %cond3A_85 = arith.constant 0 : i32
      %cond3A_86 = arith.cmpi ne, %convert_element_type3A_84, %cond3A_85 : i32
      scf.if %cond3A_86 {
        %div3A_87 = arith.constant 8 : i32
        %div3A_88 = arith.divsi %sub3A_78, %div3A_87 : i32
        %rem3A_89 = arith.constant 8 : i32
        %rem3A_90 = arith.remsi %sub3A_78, %rem3A_89 : i32
        %sub3A_91 = arith.constant 512 : i32
        %sub3A_92 = arith.subi %sub3A_91, %mul3A_2 : i32
        %sub3A_93 = arith.subi %sub3A_92, %div3A_88 : i32
        %mul3A_94 = arith.constant 768 : i32
        %mul3A_95 = arith.muli %sub3A_93, %mul3A_94 : i32
        %mul3A_96 = arith.constant 49152 : i32
        %mul3A_97 = arith.muli %rem3A_90, %mul3A_96 : i32
        %add3A_98 = arith.addi %mul3A_95, %mul3A_97 : i32
        %multiple_of3A_99 = tpu.assume_multiple %add3A_98, 128 : i32
        %dma_wait3A_100 = arith.constant 0 : i32
        %dma_wait3A_101 = arith.constant 0 : i32
        %dma_wait3A_102 = arith.constant 0 : i32
        %dma_wait3A_103 = tpu.memref_slice %arg4[%dma_wait3A_100, %dma_wait3A_102] : memref<2x49152xf32, #tpu.memory_space<vmem>> -> memref<1x49152xf32, #tpu.memory_space<vmem>>
        %dma_wait3A_104 = tpu.memref_squeeze %dma_wait3A_103 : memref<1x49152xf32, #tpu.memory_space<vmem>> -> memref<49152xf32, #tpu.memory_space<vmem>>
        %dma_wait3A_105 = tpu.memref_slice %arg2[%multiple_of3A_99] : memref<1572096xf32, #tpu.memory_space<hbm>> -> memref<49152xf32, #tpu.memory_space<hbm>>
        %dma_wait3A_106 = tpu.memref_slice %arg5[%dma_wait3A_101] : memref<2x!tpu.dma_semaphore, #tpu.memory_space<semaphore_mem>> -> memref<1x!tpu.dma_semaphore, #tpu.memory_space<semaphore_mem>>
        %dma_wait3A_107 = tpu.memref_squeeze %dma_wait3A_106 : memref<1x!tpu.dma_semaphore, #tpu.memory_space<semaphore_mem>> -> memref<!tpu.dma_semaphore, #tpu.memory_space<semaphore_mem>>
        %dma_wait3A_108 = arith.constant 0 : i32
        %dma_wait3A_109 = tpu.memref_slice %arg4[%dma_wait3A_100, %dma_wait3A_108] : memref<2x49152xf32, #tpu.memory_space<vmem>> -> memref<1x49152xf32, #tpu.memory_space<vmem>>
        %dma_wait3A_110 = tpu.memref_squeeze %dma_wait3A_109 : memref<1x49152xf32, #tpu.memory_space<vmem>> -> memref<49152xf32, #tpu.memory_space<vmem>>
        %dma_wait3A_111 = tpu.memref_slice %arg2[%multiple_of3A_99] : memref<1572096xf32, #tpu.memory_space<hbm>> -> memref<49152xf32, #tpu.memory_space<hbm>>
        tpu.wait_dma2 semaphore(%dma_wait3A_107 : memref<!tpu.dma_semaphore, #tpu.memory_space<semaphore_mem>>) src(%dma_wait3A_111 : memref<49152xf32, #tpu.memory_space<hbm>>) dst(%dma_wait3A_110 : memref<49152xf32, #tpu.memory_space<vmem>>)
        %div3A_112 = arith.constant 8 : i32
        %div3A_113 = arith.divsi %sub3A_78, %div3A_112 : i32
        %rem3A_114 = arith.constant 8 : i32
        %rem3A_115 = arith.remsi %sub3A_78, %rem3A_114 : i32
        %add3A_116 = arith.addi %mul3A_2, %div3A_113 : i32
        %mul3A_117 = arith.constant 393216 : i32
        %mul3A_118 = arith.muli %add3A_116, %mul3A_117 : i32
        %mul3A_119 = arith.constant 49152 : i32
        %mul3A_120 = arith.muli %rem3A_115, %mul3A_119 : i32
        %add3A_121 = arith.addi %mul3A_118, %mul3A_120 : i32
        %multiple_of3A_122 = tpu.assume_multiple %add3A_121, 128 : i32
        %dma_start3A = arith.constant 0 : i32
        %dma_start3A_123 = arith.constant 0 : i32
        %dma_start3A_124 = arith.constant 0 : i32
        %dma_start3A_125 = tpu.memref_slice %arg4[%dma_start3A, %dma_start3A_124] : memref<2x49152xf32, #tpu.memory_space<vmem>> -> memref<1x49152xf32, #tpu.memory_space<vmem>>
        %dma_start3A_126 = tpu.memref_squeeze %dma_start3A_125 : memref<1x49152xf32, #tpu.memory_space<vmem>> -> memref<49152xf32, #tpu.memory_space<vmem>>
        %dma_start3A_127 = tpu.memref_slice %arg3[%multiple_of3A_122] : memref<201326592xf32, #tpu.memory_space<hbm>> -> memref<49152xf32, #tpu.memory_space<hbm>>
        %dma_start3A_128 = tpu.memref_slice %arg6[%dma_start3A_123] : memref<2x!tpu.dma_semaphore, #tpu.memory_space<semaphore_mem>> -> memref<1x!tpu.dma_semaphore, #tpu.memory_space<semaphore_mem>>
        %dma_start3A_129 = tpu.memref_squeeze %dma_start3A_128 : memref<1x!tpu.dma_semaphore, #tpu.memory_space<semaphore_mem>> -> memref<!tpu.dma_semaphore, #tpu.memory_space<semaphore_mem>>
        %dma_start3A_130 = tpu.memref_slice %arg3[%multiple_of3A_122] : memref<201326592xf32, #tpu.memory_space<hbm>> -> memref<49152xf32, #tpu.memory_space<hbm>>
        %dma_start3A_131 = arith.constant 0 : i32
        %dma_start3A_132 = tpu.memref_slice %arg4[%dma_start3A, %dma_start3A_131] : memref<2x49152xf32, #tpu.memory_space<vmem>> -> memref<1x49152xf32, #tpu.memory_space<vmem>>
        %dma_start3A_133 = tpu.memref_squeeze %dma_start3A_132 : memref<1x49152xf32, #tpu.memory_space<vmem>> -> memref<49152xf32, #tpu.memory_space<vmem>>
        tpu.enqueue_dma source(%dma_start3A_133 : memref<49152xf32, #tpu.memory_space<vmem>>) target(%dma_start3A_130 : memref<49152xf32, #tpu.memory_space<hbm>>) target_semaphore(%dma_start3A_129 : memref<!tpu.dma_semaphore, #tpu.memory_space<semaphore_mem>>)
      } else {
      }
    }
    %scan3A_7 = arith.constant 66 : i32
    %div3A = arith.constant 126 : i32
    %div3A_8 = arith.constant 8 : i32
    %div3A_9 = arith.divsi %div3A, %div3A_8 : i32
    %rem3A = arith.constant 126 : i32
    %rem3A_10 = arith.constant 8 : i32
    %rem3A_11 = arith.remsi %rem3A, %rem3A_10 : i32
    %add3A_12 = arith.addi %mul3A_2, %div3A_9 : i32
    %mul3A_13 = arith.constant 393216 : i32
    %mul3A_14 = arith.muli %add3A_12, %mul3A_13 : i32
    %mul3A_15 = arith.constant 49152 : i32
    %mul3A_16 = arith.muli %rem3A_11, %mul3A_15 : i32
    %add3A_17 = arith.addi %mul3A_14, %mul3A_16 : i32
    %multiple_of3A = tpu.assume_multiple %add3A_17, 128 : i32
    %dma_wait3A = arith.constant 0 : i32
    %dma_wait3A_18 = arith.constant 0 : i32
    %dma_wait3A_19 = arith.constant 0 : i32
    %dma_wait3A_20 = tpu.memref_slice %arg4[%dma_wait3A, %dma_wait3A_19] : memref<2x49152xf32, #tpu.memory_space<vmem>> -> memref<1x49152xf32, #tpu.memory_space<vmem>>
    %dma_wait3A_21 = tpu.memref_squeeze %dma_wait3A_20 : memref<1x49152xf32, #tpu.memory_space<vmem>> -> memref<49152xf32, #tpu.memory_space<vmem>>
    %dma_wait3A_22 = tpu.memref_slice %arg3[%multiple_of3A] : memref<201326592xf32, #tpu.memory_space<hbm>> -> memref<49152xf32, #tpu.memory_space<hbm>>
    %dma_wait3A_23 = tpu.memref_slice %arg6[%dma_wait3A_18] : memref<2x!tpu.dma_semaphore, #tpu.memory_space<semaphore_mem>> -> memref<1x!tpu.dma_semaphore, #tpu.memory_space<semaphore_mem>>
    %dma_wait3A_24 = tpu.memref_squeeze %dma_wait3A_23 : memref<1x!tpu.dma_semaphore, #tpu.memory_space<semaphore_mem>> -> memref<!tpu.dma_semaphore, #tpu.memory_space<semaphore_mem>>
    %dma_wait3A_25 = tpu.memref_slice %arg3[%multiple_of3A] : memref<201326592xf32, #tpu.memory_space<hbm>> -> memref<49152xf32, #tpu.memory_space<hbm>>
    %dma_wait3A_26 = arith.constant 0 : i32
    %dma_wait3A_27 = tpu.memref_slice %arg4[%dma_wait3A, %dma_wait3A_26] : memref<2x49152xf32, #tpu.memory_space<vmem>> -> memref<1x49152xf32, #tpu.memory_space<vmem>>
    %dma_wait3A_28 = tpu.memref_squeeze %dma_wait3A_27 : memref<1x49152xf32, #tpu.memory_space<vmem>> -> memref<49152xf32, #tpu.memory_space<vmem>>
    tpu.wait_dma2 semaphore(%dma_wait3A_24 : memref<!tpu.dma_semaphore, #tpu.memory_space<semaphore_mem>>) src(%dma_wait3A_28 : memref<49152xf32, #tpu.memory_space<vmem>>) dst(%dma_wait3A_25 : memref<49152xf32, #tpu.memory_space<hbm>>)
    %div3A_29 = arith.constant 127 : i32
    %div3A_30 = arith.constant 8 : i32
    %div3A_31 = arith.divsi %div3A_29, %div3A_30 : i32
    %rem3A_32 = arith.constant 127 : i32
    %rem3A_33 = arith.constant 8 : i32
    %rem3A_34 = arith.remsi %rem3A_32, %rem3A_33 : i32
    %add3A_35 = arith.addi %mul3A_2, %div3A_31 : i32
    %mul3A_36 = arith.constant 393216 : i32
    %mul3A_37 = arith.muli %add3A_35, %mul3A_36 : i32
    %mul3A_38 = arith.constant 49152 : i32
    %mul3A_39 = arith.muli %rem3A_34, %mul3A_38 : i32
    %add3A_40 = arith.addi %mul3A_37, %mul3A_39 : i32
    %multiple_of3A_41 = tpu.assume_multiple %add3A_40, 128 : i32
    %dma_wait3A_42 = arith.constant 1 : i32
    %dma_wait3A_43 = arith.constant 1 : i32
    %dma_wait3A_44 = arith.constant 0 : i32
    %dma_wait3A_45 = tpu.memref_slice %arg4[%dma_wait3A_42, %dma_wait3A_44] : memref<2x49152xf32, #tpu.memory_space<vmem>> -> memref<1x49152xf32, #tpu.memory_space<vmem>>
    %dma_wait3A_46 = tpu.memref_squeeze %dma_wait3A_45 : memref<1x49152xf32, #tpu.memory_space<vmem>> -> memref<49152xf32, #tpu.memory_space<vmem>>
    %dma_wait3A_47 = tpu.memref_slice %arg3[%multiple_of3A_41] : memref<201326592xf32, #tpu.memory_space<hbm>> -> memref<49152xf32, #tpu.memory_space<hbm>>
    %dma_wait3A_48 = tpu.memref_slice %arg6[%dma_wait3A_43] : memref<2x!tpu.dma_semaphore, #tpu.memory_space<semaphore_mem>> -> memref<1x!tpu.dma_semaphore, #tpu.memory_space<semaphore_mem>>
    %dma_wait3A_49 = tpu.memref_squeeze %dma_wait3A_48 : memref<1x!tpu.dma_semaphore, #tpu.memory_space<semaphore_mem>> -> memref<!tpu.dma_semaphore, #tpu.memory_space<semaphore_mem>>
    %dma_wait3A_50 = tpu.memref_slice %arg3[%multiple_of3A_41] : memref<201326592xf32, #tpu.memory_space<hbm>> -> memref<49152xf32, #tpu.memory_space<hbm>>
    %dma_wait3A_51 = arith.constant 0 : i32
    %dma_wait3A_52 = tpu.memref_slice %arg4[%dma_wait3A_42, %dma_wait3A_51] : memref<2x49152xf32, #tpu.memory_space<vmem>> -> memref<1x49152xf32, #tpu.memory_space<vmem>>
    %dma_wait3A_53 = tpu.memref_squeeze %dma_wait3A_52 : memref<1x49152xf32, #tpu.memory_space<vmem>> -> memref<49152xf32, #tpu.memory_space<vmem>>
    tpu.wait_dma2 semaphore(%dma_wait3A_49 : memref<!tpu.dma_semaphore, #tpu.memory_space<semaphore_mem>>) src(%dma_wait3A_53 : memref<49152xf32, #tpu.memory_space<vmem>>) dst(%dma_wait3A_50 : memref<49152xf32, #tpu.memory_space<hbm>>)
    return
  }
}

</mosaic_0001>

<sc_bundles>
// kernel: kernel.3.cloned.1.call-start
scs
__scs_entry_jumppad:
0x0: {  	(pc) =	sbr.rel $0x88, $3  }
0x1: {  	(tag) =	ssettag $0x0;
	lr =	simm.s32 $0x1  }
0x2: {  	[smem:$0x3FA0] =	sst lr;
	_ =	strace $0xD0000000  }
0x3: {  	_ = 	snop  }
0x4: {  	_ = 	snop  }
0x5: {  	_ = 	snop  }
0x6: {  	_ = 	snop  }
0x7: {  	_ = 	snop  }
__scs_overlays_trampoline_lowered:
0x8: {  	[smem:$0x3FAF] =	sst s0  }
0x9: {  	[smem:$0x3FB0] =	sst s1  }
0xa: {  	[smem:$0x3FB1] =	sst s2  }
0xb: {  	[smem:$0x3FB2] =	sst s3  }
0xc: {  	[smem:$0x3FB3] =	sst s4  }
0xd: {  	[smem:$0x3FB4] =	sst s5  }
0xe: {  	[smem:$0x3FB5] =	sst s6  }
0xf: {  	[smem:$0x3FB6] =	sst s7  }
0x10: {  	[smem:$0x3FB7] =	sst s8  }
0x11: {  	[smem:$0x3FB8] =	sst s9;
	s0 =	simm.s32 @!p0 $0x0  }
0x12: {  	s1 =	sld [smem:$0x3F9E];
	s0 =	simm.s32 @p0 $0x1  }
0x13: {  	[smem:$0x3FB9] =	sst s0;
	s0 =	simm.s32 @!p1 $0x0  }
0x14: {  	s2 =	sld [smem:$0x3F9D];
	s0 =	simm.s32 @p1 $0x1  }
0x15: {  	[smem:$0x3FBA] =	sst s0;
	s0 =	simm.s32 @!p2 $0x0  }
0x16: {  	s3 =	sld [smem:$0x3FDB];
	s0 =	simm.s32 @p2 $0x1  }
0x17: {  	s4 =	simm.s32 $0x1BF5;
	[smem:$0x3FBC] =	sst s0  }
0x18: {  	s0 =	sld [smem:$0x3F9F];
	_ =	swait.ge [sflag:s4], $0x0  }
0x19: {  	s7 =	sld [smem:$0x3FA0]  }
0x1a: {  	s8 =	sadd.s32 $0xFFFFE003, lr  }
0x1b: {  	s9 =	sadd.s32 $0xFFFFFEF7, lr;
	s5 =	simm.s32 $0xFFFFFFFF;
	p2 =	slt.u32 s8, $0xFFFFF086  }
0x1c: {  	p1 =	slt.u32 s9, $0xF7A;
	s5 =	simm.s32 @!p2 $0x0  }
0x1d: {  	s5 =	simm.s32 @p1 $0x1;
	p0 =	seq.s32 s7, s2  }
0x1e: {  	s7 =	smul.u32 @!p0 $0xF7A, s2;
	p2 =	seq.s32 @!p0 s5, $0x0  }
0x1f: {  	s9 =	smul.u32 $0xF7A, s1;
	s8 =	simm.s32 @!p0 $0x1BF5;
	p2 =	por !p2, p0  }
0x20: {  	[sflag:s8] =	ssyncset.s32 @!p0 $0xFFFFF086;
	s6 =	sadd.s32 @!p0 s3, s7;
	s7 =	simm.s32 @!p0 $0x108  }
0x21: {  	s3 =	sadd.s32 s3, s9;
	s6 =	sadd.s32 @!p0 $0x88, s6;
	s7 =	simm.s32 @p2 $0x1082  }
0x22: {  	[simem:s7], [sflag:s8] =	dma.local @!p0 [hbm:s6], $0xF7A  }
0x23: {  	s9 =	sor.u32 $0xD0000000, s2;
	s6 =	simm.s32 $0x108;
	_ =	swait.ge @!p0 [sflag:s8], $0x0  }
0x24: {  	s3 =	sadd.s32 $0x88, s3;
	s6 =	simm.s32 @!p1 $0x1082;
	[sflag:s4] =	ssyncset.s32 $0xFFFFF086  }
0x25: {  	[simem:s6], [sflag:s4] =	dma.local [hbm:s3], $0xF7A  }
0x26: {  	[smem:$0x3FA0] =	sst s1;
	(tag) =	ssettag s2;
	_ =	strace s9  }
0x27: {  	s1 =	sld [smem:$0x3FB0]  }
0x28: {  	s2 =	sld [smem:$0x3FB1]  }
0x29: {  	s4 =	sld [smem:$0x3FB3]  }
0x2a: {  	p0 =	seq.s32 s5, $0x0;
	s5 =	sld [smem:$0x3FB4]  }
0x2b: {  	s6 =	sld [smem:$0x3FB5]  }
0x2c: {  	s7 =	sld [smem:$0x3FB6]  }
0x2d: {  	s3 =	simm.s32 $0x108;
	s8 =	sld [smem:$0x3FB7]  }
0x2e: {  	s3 =	simm.s32 @!p0 $0x1082;
	s9 =	sld [smem:$0x3FB8]  }
0x2f: {  	lr =	sadd.s32 s0, s3;
	s0 =	sld [smem:$0x3FAF]  }
0x30: {  	s3 =	sld [smem:$0x3FB2]  }
0x31: {  	[smem:$0x3FBB] =	sst s10  }
0x32: {  	s10 =	sld [smem:$0x3FB9];
	_ =	sdelay $0x3  }
0x33: {  	p0 =	seq.s32 s10, $0x1;
	s10 =	sld [smem:$0x3FBB];
	_ =	sdelay $0x3  }
0x34: {  	[smem:$0x3FBB] =	sst s10  }
0x35: {  	s10 =	sld [smem:$0x3FBA];
	_ =	sdelay $0x3  }
0x36: {  	p1 =	seq.s32 s10, $0x1;
	s10 =	sld [smem:$0x3FBB];
	_ =	sdelay $0x3  }
0x37: {  	[smem:$0x3FBB] =	sst s10  }
0x38: {  	s10 =	sld [smem:$0x3FBC]  }
0x39: {  	_ = 	snop;
	(pc) =	sbr.ind lr, $3  }
0x3a: {  	_ = 	snop  }
0x3b: {  	_ = 	snop  }
0x3c: {  	p2 =	seq.s32 s10, $0x1;
	s10 =	sld [smem:$0x3FBB]  }
0x3d: {  	_ =	shalt  }
0x3e: {  	_ =	shalt  }
0x3f: {  	_ =	shalt  }
0x40: {  	_ =	shalt  }
0x41: {  	_ =	shalt  }
0x42: {  	_ =	shalt  }
0x43: {  	_ =	shalt  }
0x44: {  	_ =	shalt  }
0x45: {  	_ =	shalt  }
0x46: {  	_ =	shalt  }
0x47: {  	_ =	shalt  }
0x48: {  	_ =	shalt  }
0x49: {  	_ =	shalt  }
0x4a: {  	_ =	shalt  }
0x4b: {  	_ =	shalt  }
0x4c: {  	_ =	shalt  }
0x4d: {  	_ =	shalt  }
0x4e: {  	_ =	shalt  }
0x4f: {  	_ =	shalt  }
0x50: {  	_ =	shalt  }
0x51: {  	_ =	shalt  }
0x52: {  	_ =	shalt  }
0x53: {  	_ =	shalt  }
0x54: {  	_ =	shalt  }
0x55: {  	_ =	shalt  }
0x56: {  	_ =	shalt  }
0x57: {  	_ =	shalt  }
0x58: {  	_ =	shalt  }
0x59: {  	_ =	shalt  }
0x5a: {  	_ =	shalt  }
0x5b: {  	_ =	shalt  }
0x5c: {  	_ =	shalt  }
0x5d: {  	_ =	shalt  }
0x5e: {  	_ =	shalt  }
0x5f: {  	_ =	shalt  }
0x60: {  	_ =	shalt  }
0x61: {  	_ =	shalt  }
0x62: {  	_ =	shalt  }
0x63: {  	_ =	shalt  }
0x64: {  	_ =	shalt  }
0x65: {  	_ =	shalt  }
0x66: {  	_ =	shalt  }
0x67: {  	_ =	shalt  }
0x68: {  	_ =	shalt  }
0x69: {  	_ =	shalt  }
0x6a: {  	_ =	shalt  }
0x6b: {  	_ =	shalt  }
0x6c: {  	_ =	shalt  }
0x6d: {  	_ =	shalt  }
0x6e: {  	_ =	shalt  }
0x6f: {  	_ =	shalt  }
0x70: {  	_ =	shalt  }
0x71: {  	_ =	shalt  }
0x72: {  	_ =	shalt  }
0x73: {  	_ =	shalt  }
0x74: {  	_ =	shalt  }
0x75: {  	_ =	shalt  }
0x76: {  	_ =	shalt  }
0x77: {  	_ =	shalt  }
0x78: {  	_ =	shalt  }
0x79: {  	_ =	shalt  }
0x7a: {  	_ =	shalt  }
0x7b: {  	_ =	shalt  }
0x7c: {  	_ =	shalt  }
0x7d: {  	_ =	shalt  }
0x7e: {  	_ =	shalt  }
0x7f: {  	_ =	shalt  }
0x80: {  	_ =	shalt  }
0x81: {  	_ =	shalt  }
0x82: {  	_ =	shalt  }
0x83: {  	_ =	shalt  }
0x84: {  	_ =	shalt  }
0x85: {  	_ =	shalt  }
0x86: {  	_ =	shalt  }
0x87: {  	_ =	shalt  }
.Lfunc_end0:
.L_simem_size_0:
called_computation_lowered:
.L_overlay_start_0:
0x88: {  	s2 =	sld [smem:$0x3FD9]  }
0x89: {  	s3 =	sld [smem:$0x3FFE];
	_ =	sdelay $0x1  }
0x8a: {  	s1 =	srdreg.scid  }
0x8b: {  	s0 =	sand.u32 $0x1, s1  }
0x8c: {  	s17 =	sshll.u32 s0, $0xA;
	s2 =	sadd.s32 s3, s2  }
0x8d: {  	s2 =	sadd.s32 s2, s17  }
0x8e: {  	[smem:$0x3FC7] =	sst s2  }
0x8f: {  	_ = 	snop  }
0x90: {  	s2 =	sld [smem:$0x3FD0];
	(tm) =	ssettm $0x1  }
0x91: {  	s18 =	sld [smem:$0x3FFB];
	_ =	sdelay $0x3  }
0x92: {  	_ =	strace s18  }
0x93: {  	s3 =	sld [smem:$0x3FFC];
	_ =	sdelay $0x3  }
0x94: {  	_ =	strace s3  }
0x95: {  	s3 =	sld [smem:$0x3FFD];
	_ =	sdelay $0x3  }
0x96: {  	_ =	strace s3  }
0x97: {  	_ =	strace $0x8FFFFFFF  }
0x98: {  	s19 =	sld [smem:$0x3FDB];
	_ =	sdelay $0x1  }
0x99: {  	s4 =	simm.s32 $_scs_section_size  }
0x9a: {  	s5 =	simm.s32 $_size__tile_overlayer_lowered;
	s6 =	simm.s32 $_tile_overlayer_lowered  }
0x9b: {  	s22 =	simm.s32 $0x1BFF;
	s21 =	sshll.u32 s6, $0x1;
	s3 =	sadd.s32 s4, s19  }
0x9c: {  	s7 =	simm.s32 $0x0;
	s20 =	sshll.u32 s5, $0x1;
	s5 =	sadd.s32 s21, s3  }
0x9d: {  	[timem:s7], [sflag:s22] =	dma.local [hbm:s5], s20  }
0x9e: {  	_ =	swait.ge [sflag:s22], s20  }
0x9f: {  	s4 =	ssub.s32 $0x0, s20;
	[sflag:s22] =	ssyncset.done $0x0  }
0xa0: {  	[sflag:s22] =	ssyncadd.s32 s4;
	_ =	sdelay $0x1  }
0xa1: {  	s23 =	simm.s32 $0x1B8B  }
0xa2: {  	_ =	swait.ge [sflag:s23], $0x1  }
0xa3: {  	[sflag:s23] =	ssyncset.done $0x0  }
0xa4: {  	s25 =	simm.s32 $0x1B8E;
	s24 =	sld [smem:$0x3FFE];
	[sflag:s23] =	ssyncadd.s32 $0xFFFFFFFF  }
0xa5: {  	s26 =	simm.s32 $execute0_lowered;
	[smem:$0x3FD2] =	sst s25  }
0xa6: {  	s5 =	sshll.u32 s26, $0x1;
	_ =	strace $0x80000046;
	[dreg:$0x1] =	wrdreg $0xFFFFFFFF  }
0xa7: {  	s28 =	simm.s32 $_size_execute0_lowered;
	s3 =	sadd.s32 s3, s5;
	[dreg:$0x0] =	wrdreg $0x0  }
0xa8: {  	s5 =	sshll.u32 s28, $0x1;
	[dreg:$0x2] =	wrdreg s3  }
0xa9: {  	[dreg:$0x3] =	wrdreg s5  }
0xaa: {  	[dreg:$0x4] =	wrdreg $0xC0  }
0xab: {  	_ =	task [dreg:s7], $0x5FFFF  }
0xac: {  	[dreg:$0x1] =	wrdreg $0xFFFFFFFF  }
0xad: {  	[dreg:$0x0] =	wrdreg $0x60  }
0xae: {  	[dreg:$0x2] =	wrdreg s2  }
0xaf: {  	[dreg:$0x3] =	wrdreg s24  }
0xb0: {  	[dreg:$0x4] =	wrdreg $0x9  }
0xb1: {  	_ =	task.clear_ibuf [dreg:s7], $0x5FFFF;
	_ =	strace $0x90000046  }
0xb2: {  	s29 =	simm.s32 $0x9;
	_ =	strace $0x80000048  }
0xb3: {  	_ =	swait.ge [sflag:s29], $0x1  }
0xb4: {  	[sflag:s29] =	ssyncadd.s32 $0xFFFFFFFF  }
0xb5: {  	_ =	strace $0x90000048  }
0xb6: {  	_ =	sfence  }
0xb7: {  	s30 =	sld [smem:$0x0];
	_ =	sdelay $0x2  }
0xb8: {  	s31 =	sshll.u32 s1, $0xD;
	s1 =	sshrl.u32 s1, $0x2  }
0xb9: {  	s3 =	sand.u32 $0x4000, s31;
	s1 =	sadd.s32 s1, s30  }
0xba: {  	s0 =	sor.u32 s3, s0;
	s1 =	sshll.u32 s1, $0x11  }
0xbb: {  	s0 =	sor.u32 s1, s0  }
0xbc: {  	s0 =	sadd.s32 $0x8F2B, s0  }
0xbd: {  	[sflag:s0] =	ssyncadd.remote.s32 $0x1  }
0xbe: {  	_ =	sfence.sel $0xFFFF  }
0xbf: {  	[dreg:$0x0] =	wrdreg $0xFFFFFFFF;
	(pc) =	sbr.abs _section_cstart, $3  }
0xc0: {  	[dreg:$0x1] =	wrdreg $0xFFFFFFFF  }
0xc1: {  	_ =	task.clear_ibuf [dreg:s7], $0x2FFFF;
	_ =	strace $0x9FFFFFFF  }
0xc2: {  	(tm) =	ssettm $0x7FFFFFFF  }
0xc3: {  	_ =	shalt  }
tec
execute0_lowered:
.L_overlay_start_1:
0x0: {  	(tag) =	ssettag $0x1  }
0x1: {  	s1 =	rddreg [dreg:$0x0]  }
0x2: {  	s4 =	rddreg [dreg:$0x1]  }
0x3: {  	s0 =	rddreg [dreg:$0x2];
	s2 =	simm.s32 $0x0;
	s3 =	srdreg.scid  }
0x4: {  	s9 =	simm.s32 $0x3;
	s10 =	simm.s32 $0x4;
	s11 =	simm.s32 $0x0  }
.Ltmp0:
0x5: {  	[smem:$0x7FF] =	sst s2;
	s5 =	sand.u32 $0x1, s3;
	(pc) =	sbr.rel .LBB2_1-.Ltmp0, $4  }
0x6: {  	s3 =	stileid.u32;
	s4 =	sadd.s32 $0x400, s4;
	s6 =	ssub.s32 $0x2, s5  }
0x7: {  	s8 =	sshll.u32 s3, $0x5;
	s5 =	sshll.u32 s5, $0x4;
	s7 =	sshrl.u32 s6, $0x1  }
0x8: {  	_ =	strace $0x80000047;
	s5 =	sor.u32 s5, s8;
	s6 =	ssub.s32 s6, s7  }
0x9: {  	s8 =	simm.s32 $0x1;
	s7 =	simm.s32 $0x2;
	s6 =	smax.u32 s6, $0x1  }
.LBB2_17:
0xa: {  	s11 =	sadd.s32 $0x1, s11  }
0xb: {  	_ =	swait.ge [sflag:s9], $0xC000;
	p0 =	sne.s32 s11, s6  }
.Ltmp1:
0xc: {  	[sflag:s9] =	ssyncset.done $0x0;
	(pc) =	sbr.rel @!p0 .LBB2_18-.Ltmp1, $4  }
0xd: {  	[sflag:s9] =	ssyncadd.s32 $0xFFFF4000  }
0xe: {  	_ =	swait.ge [sflag:s10], $0xC000  }
0xf: {  	[sflag:s10] =	ssyncset.done $0x0  }
0x10: {  	[sflag:s10] =	ssyncadd.s32 $0xFFFF4000  }
.LBB2_1:
.Ltmp2:
0x11: {  	(pc) =	sbr.rel .LBB2_2-.Ltmp2, $2  }
0x12: {  	_ =	sdelay $0x2  }
0x13: {  	s12 =	simm.s32 $0x0  }
.LBB2_16:
0x14: {  	s12 =	sadd.s32 $0x1, s12  }
0x15: {  	p0 =	sne.s32 s12, $0x42  }
.Ltmp3:
0x16: {  	_ = 	snop;
	(pc) =	sbr.rel @!p0 .LBB2_17-.Ltmp3, $1  }
0x17: {  	_ =	sdelay $0x3  }
.LBB2_2:
0x18: {  	p1 =	sgt.u32 s12, $0x3F  }
.Ltmp4:
0x19: {  	_ = 	snop;
	(pc) =	sbr.rel @p1 .LBB2_6-.Ltmp4, $2  }
0x1a: {  	_ =	sdelay $0x2  }
0x1b: {  	s13 =	sshll.u32 s12, $0x1;
	p0 =	seq.s32 s12, $0x0  }
0x1c: {  	s14 =	sshrl.u32 s12, $0x2;
	s15 =	sand.u32 $0x6, s13  }
0x1d: {  	s14 =	sor.u32 s5, s14;
	s15 =	smul.u32 $0xC000, s15  }
0x1e: {  	s14 =	smul.u32 $0xFFFFFD00, s14;
	_ =	sdelay $0x1  }
0x1f: {  	s16 =	simm.s32 @!p0 $0x3;
	s14 =	sadd.s32 s15, s14  }
0x20: {  	_ =	swait.ge @!p0 [sflag:s16], $0xC000;
	s14 =	sadd.s32 $0x60000, s14  }
0x21: {  	[sflag:s16] =	ssyncset.done @!p0 $0x0;
	s14 =	sshrl.u32 s14, $0x3  }
0x22: {  	s17 =	simm.s32 $0x100;
	[sflag:s16] =	ssyncadd.s32 @!p0 $0xFFFF4000;
	s14 =	sadd.s32 s1, s14  }
0x23: {  	s16 =	simm.s32 $0x10;
	s15 =	simm.s32 $0x0;
	s18 =	sadd.s32 $0x0, s14  }
.LBB2_4:
0x24: {  	[tilespmem:s15], [sflag:$0x1] =	stream.linear.gather [hbm4b:s18+s2], $0x80, $0x38;
	[tilespmem:$0x18000] =	vst v63  }
0x25: {  	s18 =	smov.u32 s16;
	s15 =	smov.u32 s17;
	p2 =	sne.s32 s16, $0x17F0  }
.Ltmp5:
0x26: {  	s16 =	sadd.s32 $0x10, s16;
	(pc) =	sbr.rel @p2 .LBB2_4-.Ltmp5, $2  }
0x27: {  	_ =	sdelay $0x2  }
0x28: {  	s17 =	sadd.s32 $0x100, s17;
	s18 =	sadd.s32 s18, s14  }
0x29: {  	[tilespmem:s15], [sflag:$0x1] =	stream.linear.gather [hbm4b:s18+s2], $0x80, $0x38;
	[tilespmem:$0x18000] =	vst v63  }
.LBB2_6:
0x2a: {  	s14 =	sadd.s32 $0xFFFFFFFF, s13  }
0x2b: {  	p2 =	sgt.u32 s14, $0x7F  }
.Ltmp6:
0x2c: {  	_ = 	snop;
	(pc) =	sbr.rel @p2 .LBB2_10-.Ltmp6, $1  }
0x2d: {  	_ =	sdelay $0x3  }
0x2e: {  	s15 =	sshrl.u32 s14, $0x3;
	s31 =	sand.u32 $0x7, s14  }
0x2f: {  	s15 =	sor.u32 s5, s15;
	s14 =	smul.u32 $0xC000, s31  }
0x30: {  	s15 =	smul.u32 $0x60000, s15;
	_ =	sdelay $0x1  }
0x31: {  	s14 =	sadd.s32 s14, s15  }
0x32: {  	_ =	swait.ge [sflag:s7], $0xC000;
	s16 =	simm.s32 $0x10;
	s14 =	sshrl.u32 s14, $0x3  }
0x33: {  	s17 =	simm.s32 $0x180;
	[sflag:s7] =	ssyncset.done $0x0;
	s14 =	sadd.s32 s4, s14  }
0x34: {  	[sflag:s7] =	ssyncadd.s32 $0xFFFF4000;
	s15 =	simm.s32 $0x80;
	s18 =	sadd.s32 $0x0, s14  }
.LBB2_8:
0x35: {  	[hbm4b:s18+s2] =	stream.linear.scatter [tilespmem:s15], [sflag:$0x4], $0x80, $0x38;
	[tilespmem:$0x18000] =	vst v63  }
0x36: {  	s18 =	smov.u32 s16;
	s15 =	smov.u32 s17;
	p2 =	sne.s32 s16, $0x17F0  }
.Ltmp7:
0x37: {  	s16 =	sadd.s32 $0x10, s16;
	(pc) =	sbr.rel @p2 .LBB2_8-.Ltmp7, $2  }
0x38: {  	_ =	sdelay $0x2  }
0x39: {  	s17 =	sadd.s32 $0x100, s17;
	s18 =	sadd.s32 s18, s14  }
0x3a: {  	[hbm4b:s18+s2] =	stream.linear.scatter [tilespmem:s15], [sflag:$0x4], $0x80, $0x38;
	[tilespmem:$0x18000] =	vst v63  }
.LBB2_10:
.Ltmp8:
0x3b: {  	(pc) =	sbr.rel @p1 .LBB2_16-.Ltmp8, $1  }
0x3c: {  	_ =	sdelay $0x3  }
0x3d: {  	s13 =	sand.u32 $0x6, s13;
	s14 =	sshrl.u32 s12, $0x2  }
0x3e: {  	s13 =	smul.u32 $0xC000, s13;
	s14 =	sor.u32 s5, s14  }
0x3f: {  	s15 =	smul.u32 $0xFFFFFD00, s14;
	_ =	sdelay $0x1  }
0x40: {  	s15 =	sadd.s32 s15, s13  }
0x41: {  	s16 =	simm.s32 @!p0 $0x4;
	s15 =	sadd.s32 $0x6C000, s15  }
0x42: {  	s17 =	simm.s32 $0x10;
	_ =	swait.ge @!p0 [sflag:s16], $0xC000;
	s15 =	sshrl.u32 s15, $0x3  }
0x43: {  	s18 =	simm.s32 $0x180;
	[sflag:s16] =	ssyncset.done @!p0 $0x0;
	s15 =	sadd.s32 s1, s15  }
0x44: {  	[sflag:s16] =	ssyncadd.s32 @!p0 $0xFFFF4000;
	s16 =	simm.s32 $0x80;
	s19 =	sadd.s32 $0x0, s15  }
.LBB2_12:
0x45: {  	[tilespmem:s16], [sflag:$0x2] =	stream.linear.gather [hbm4b:s19+s2], $0x80, $0x38;
	[tilespmem:$0x18000] =	vst v63  }
0x46: {  	s19 =	smov.u32 s17;
	s16 =	smov.u32 s18;
	p0 =	sne.s32 s17, $0x17F0  }
.Ltmp9:
0x47: {  	s17 =	sadd.s32 $0x10, s17;
	(pc) =	sbr.rel @p0 .LBB2_12-.Ltmp9, $2  }
0x48: {  	_ =	sdelay $0x2  }
0x49: {  	s18 =	sadd.s32 $0x100, s18;
	s19 =	sadd.s32 s19, s15  }
0x4a: {  	s14 =	smul.u32 $0x60000, s14  }
0x4b: {  	[tilespmem:s16], [sflag:$0x2] =	stream.linear.gather [hbm4b:s19+s2], $0x80, $0x38;
	[tilespmem:$0x18000] =	vst v63  }
0x4c: {  	s13 =	sadd.s32 s13, s14  }
0x4d: {  	s15 =	simm.s32 $0x10;
	_ =	swait.ge [sflag:s8], $0xC000;
	s13 =	sshrl.u32 s13, $0x3  }
0x4e: {  	s16 =	simm.s32 $0x100;
	[sflag:s8] =	ssyncset.done $0x0;
	s13 =	sadd.s32 s4, s13  }
0x4f: {  	s14 =	simm.s32 $0x0;
	[sflag:s8] =	ssyncadd.s32 $0xFFFF4000;
	s17 =	sadd.s32 $0x0, s13  }
.LBB2_14:
0x50: {  	[hbm4b:s17+s2] =	stream.linear.scatter [tilespmem:s14], [sflag:$0x3], $0x80, $0x38;
	[tilespmem:$0x18000] =	vst v63  }
0x51: {  	s17 =	smov.u32 s15;
	s14 =	smov.u32 s16;
	p0 =	sne.s32 s15, $0x17F0  }
.Ltmp10:
0x52: {  	s15 =	sadd.s32 $0x10, s15;
	(pc) =	sbr.rel @p0 .LBB2_14-.Ltmp10, $2  }
0x53: {  	_ =	sdelay $0x2  }
0x54: {  	s16 =	sadd.s32 $0x100, s16;
	s17 =	sadd.s32 s17, s13  }
.Ltmp11:
0x55: {  	(pc) =	sbr.rel .LBB2_16-.Ltmp11, $2  }
0x56: {  	_ =	sdelay $0x2  }
0x57: {  	[hbm4b:s17+s2] =	stream.linear.scatter [tilespmem:s14], [sflag:$0x3], $0x80, $0x38;
	[tilespmem:$0x18000] =	vst v63  }
.LBB2_18:
0x58: {  	_ =	sfence.sel $0x180000  }
0x59: {  	[bflag:$0x0] =	sbarrier.arrive $0xFFFF  }
0x5a: {  	p0 =	sne.s32 s3, $0x0;
	_ =	strace $0x90000047  }
0x5b: {  	s0 =	sadd.s32 @!p0 $0x100000, s0;
	[bflag:$0x2] =	sbarrier.arrive $0xFFFF  }
0x5c: {  	[sflag:s0] =	ssyncadd.tile.s32 @!p0 $0x1;
	_ =	shalt  }
.Lfunc_end2:
_tile_overlayer_lowered:
.L_overlay_start_2:
0x5d: {  	(tag) =	ssettag $0x2  }
0x5e: {  	s0 =	rddreg [dreg:$0x0];
	s2 =	stileid.u32  }
0x5f: {  	s1 =	rddreg [dreg:$0x1];
	p0 =	sne.s32 s2, $0x0  }
0x60: {  	s3 =	rddreg [dreg:$0x2];
	[bflag:$0x3] =	sbarrier.arrive $0xFFFF;
	s2 =	simm.s32 @!p0 $0x1C05  }
0x61: {  	[timem:s3], [sflag:s2] =	dma.local @!p0 [hbm:s0], s1  }
0x62: {  	s0 =	simm.s32 @!p0 $0x5  }
0x63: {  	_ =	swait.ge @!p0 [sflag:s0], s1  }
0x64: {  	s1 =	ssub.s32 @!p0 $0x0, s1;
	[sflag:s0] =	ssyncset.done @!p0 $0x0  }
0x65: {  	[sflag:s0] =	ssyncadd.s32 @!p0 s1  }
0x66: {  	[bflag:$0x3] =	sbarrier.arrive $0xFFFF  }
0x67: {  	_ =	shalt  }

</sc_bundles>
